<compile_context>
chip_gen: v7x
topology: tpu7x:2x2x1
jax: 0.10.2.dev20260603
libtpu: 0.0.44.dev20260713+nightly
codegen_flags: <defaults>
</compile_context>

<pallas_src>
import functools

import jax
import jax.numpy as jnp
from jax import lax
from jax.experimental import pallas as pl
from jax.experimental.pallas import tpu as pltpu
from jax.experimental.pallas import tpu_sc as plsc

_N = 10000
_E = 320000
_DIN = 128
_H = 64

_NC = 2
_NS = 16
_NW = _NC * _NS
_EPW = _E // _NW
_C = 80
_NCH = _EPW // _C
_NPAD = 10240
_RPT = _NPAD // _NS

_f32 = jnp.float32
_PREC = jax.lax.Precision.HIGHEST


def _agg_body(h_hbm, src_hbm, dst_hbm, zeros_hbm, out_hbm,
              src_v, dst_v, buf, sem, accum):
    cid = lax.axis_index("c")
    sid = lax.axis_index("s")
    wid = sid * _NC + cid

    r0 = sid * _RPT
    pltpu.sync_copy(zeros_hbm.at[pl.ds(r0, _RPT)], accum.at[pl.ds(r0, _RPT)])
    pltpu.sync_copy(src_hbm.at[wid], src_v)
    pltpu.sync_copy(dst_hbm.at[wid], dst_v)
    plsc.subcore_barrier()

    def chunk(j, carry):
        pltpu.async_copy(h_hbm.at[src_v.at[j]], buf, sem).wait()
        pltpu.sync_copy(buf, accum.at[dst_v.at[j]], add=True)
        return carry

    lax.fori_loop(0, _NCH, chunk, 0)
    plsc.subcore_barrier()
    pltpu.sync_copy(accum.at[pl.ds(r0, _RPT)], out_hbm.at[cid, pl.ds(r0, _RPT)])


@functools.partial(jax.jit, static_argnums=3)
def _agg(h, src_r, dst_r, d):
    zeros = jnp.zeros((_NPAD, d), _f32)
    mesh = plsc.VectorSubcoreMesh(
        core_axis_name="c", subcore_axis_name="s", num_cores=_NC,
        num_subcores=_NS)
    return pl.kernel(
        _agg_body,
        out_type=jax.ShapeDtypeStruct((_NC, _NPAD, d), _f32),
        mesh=mesh,
        compiler_params=pltpu.CompilerParams(use_tc_tiling_on_sc=False),
        scratch_types=[
            pltpu.VMEM((_NCH, _C), jnp.int32),
            pltpu.VMEM((_NCH, _C), jnp.int32),
            pltpu.VMEM((_C, d), _f32),
            pltpu.SemaphoreType.DMA,
            pltpu.VMEM_SHARED((_NPAD, d), _f32),
        ],
    )(h, src_r, dst_r, zeros)


def _bn(t, gamma, beta):
    m = jnp.mean(t, axis=0, keepdims=True)
    v = jnp.mean((t - m) ** 2, axis=0, keepdims=True)
    return gamma * (t - m) / jnp.sqrt(v + 1e-5) + beta


def _gin_mlp(h_ref, p_ref, eps_ref, w1_ref, b1_ref, g1_ref, bb1_ref, w2_ref,
             b2_ref, go_ref, bo_ref):
    t = (1.0 + eps_ref[...]) * h_ref[...] + p_ref[0, :_N, :] + p_ref[1, :_N, :]
    t = jnp.dot(t, w1_ref[...], preferred_element_type=_f32,
                precision=_PREC) + b1_ref[...]
    t = jnp.maximum(_bn(t, g1_ref[...], bb1_ref[...]), 0.0)
    u = jnp.dot(t, w2_ref[...], preferred_element_type=_f32,
                precision=_PREC) + b2_ref[...]
    return jnp.maximum(_bn(u, go_ref[...], bo_ref[...]), 0.0)


def _score(h, wp_ref, bp_ref):
    return jnp.dot(jnp.sum(h, axis=0, keepdims=True), wp_ref[...],
                   preferred_element_type=_f32, precision=_PREC) + bp_ref[...]


def _layer0_body(h_ref, p_ref, eps_ref, w1_ref, b1_ref, g1_ref, bb1_ref,
                 w2_ref, b2_ref, go_ref, bo_ref, wp0_ref, bp0_ref, wp_ref,
                 bp_ref, hn_ref, s_ref):
    h = _gin_mlp(h_ref, p_ref, eps_ref, w1_ref, b1_ref, g1_ref, bb1_ref,
                 w2_ref, b2_ref, go_ref, bo_ref)
    hn_ref[...] = h
    s_ref[...] = (_score(h_ref[...], wp0_ref, bp0_ref)
                  + _score(h, wp_ref, bp_ref))


def _mid_body(h_ref, p_ref, eps_ref, w1_ref, b1_ref, g1_ref, bb1_ref, w2_ref,
              b2_ref, go_ref, bo_ref, wp_ref, bp_ref, hn_ref, s_ref):
    h = _gin_mlp(h_ref, p_ref, eps_ref, w1_ref, b1_ref, g1_ref, bb1_ref,
                 w2_ref, b2_ref, go_ref, bo_ref)
    hn_ref[...] = h
    s_ref[...] = _score(h, wp_ref, bp_ref)


def _last_body(h_ref, p_ref, eps_ref, w1_ref, b1_ref, g1_ref, bb1_ref,
               w2_ref, b2_ref, go_ref, bo_ref, wp_ref, bp_ref, s_ref):
    h = _gin_mlp(h_ref, p_ref, eps_ref, w1_ref, b1_ref, g1_ref, bb1_ref,
                 w2_ref, b2_ref, go_ref, bo_ref)
    s_ref[...] = _score(h, wp_ref, bp_ref)


@jax.jit
def _tc_layer0(*args):
    return pl.pallas_call(
        _layer0_body,
        out_shape=(jax.ShapeDtypeStruct((_N, _H), _f32),
                   jax.ShapeDtypeStruct((1, 1), _f32)),
    )(*args)


@jax.jit
def _tc_mid(*args):
    return pl.pallas_call(
        _mid_body,
        out_shape=(jax.ShapeDtypeStruct((_N, _H), _f32),
                   jax.ShapeDtypeStruct((1, 1), _f32)),
    )(*args)


@jax.jit
def _tc_last(*args):
    return pl.pallas_call(
        _last_body,
        out_shape=jax.ShapeDtypeStruct((1, 1), _f32),
    )(*args)


def kernel(x, edge_index, params):
    src_r = edge_index[0].reshape(_NW, _NCH, _C)
    dst_r = edge_index[1].reshape(_NW, _NCH, _C)

    def row(v):
        return v.reshape(1, -1)

    h = x
    out = None
    for l in range(4):
        p = _agg(h, src_r, dst_r, _DIN if l == 0 else _H)
        layer = (p, params[f"eps_{l}"].reshape(1, 1), params[f"W1_{l}"],
                 row(params[f"b1_{l}"]), row(params[f"g1_{l}"]),
                 row(params[f"bb1_{l}"]), params[f"W2_{l}"],
                 row(params[f"b2_{l}"]), row(params[f"go_{l}"]),
                 row(params[f"bo_{l}"]))
        wp = params[f"Wp_{l + 1}"]
        bp = params[f"bp_{l + 1}"].reshape(1, 1)
        if l == 0:
            h, s = _tc_layer0(h, *layer, params["Wp_0"],
                              params["bp_0"].reshape(1, 1), wp, bp)
        elif l < 3:
            h, s = _tc_mid(h, *layer, wp, bp)
        else:
            s = _tc_last(h, *layer, wp, bp)
        out = s if out is None else out + s
    return out

# --- scband reference (transcript-rebuilt; emitter-appended) ---
"""Pipeline reference for scband-net-31576599560690 (READ-ONLY COPY).

The authoritative reference and input builder live on the scoring server;
editing this copy changes nothing except your own understanding.
"""

import jax, jax.numpy as jnp
import numpy as np

N = 10000
E = 320000
DIN = 128
H = 64
DOUT = 1
NUM_LAYERS = 5  # 4 GIN layers + input rep


def _bn(h, gamma, beta, eps=1e-5):
    m = jnp.mean(h, axis=0)
    v = jnp.var(h, axis=0)
    return gamma * (h - m) / jnp.sqrt(v + eps) + beta


def setup_inputs(seed: int = 0) -> dict:
    key = jax.random.key(seed)
    kx, ke = jax.random.split(key, 2)
    x = jax.random.normal(kx, (N, DIN), dtype=jnp.float32)
    edge_index = jax.random.randint(ke, (2, E), 0, N, dtype=jnp.int32)
    params = {}
    i = 0
    for l in range(NUM_LAYERS - 1):
        in_d = DIN if l == 0 else H
        params[f"W1_{l}"] = jax.random.normal(jax.random.fold_in(key, i), (in_d, H), dtype=jnp.float32) * 0.05; i += 1
        params[f"b1_{l}"] = jnp.zeros((H,), dtype=jnp.float32)
        params[f"g1_{l}"] = jnp.ones((H,), dtype=jnp.float32)
        params[f"bb1_{l}"] = jnp.zeros((H,), dtype=jnp.float32)
        params[f"W2_{l}"] = jax.random.normal(jax.random.fold_in(key, i), (H, H), dtype=jnp.float32) * 0.05; i += 1
        params[f"b2_{l}"] = jnp.zeros((H,), dtype=jnp.float32)
        params[f"go_{l}"] = jnp.ones((H,), dtype=jnp.float32)
        params[f"bo_{l}"] = jnp.zeros((H,), dtype=jnp.float32)
        params[f"eps_{l}"] = jnp.zeros((), dtype=jnp.float32)
    for l in range(NUM_LAYERS):
        in_d = DIN if l == 0 else H
        params[f"Wp_{l}"] = jax.random.normal(jax.random.fold_in(key, i), (in_d, DOUT), dtype=jnp.float32) * 0.05; i += 1
        params[f"bp_{l}"] = jnp.zeros((DOUT,), dtype=jnp.float32)
    return {"x": x, "edge_index": edge_index, "params": params}


def reference(x, edge_index, params):
    src = edge_index[0]
    dst = edge_index[1]
    h = x
    hidden_rep = [h]
    for l in range(NUM_LAYERS - 1):
        # GINConv, aggregator 'sum', learnable eps:
        agg = jnp.zeros_like(h).at[dst].add(h[src])
        h2 = (1.0 + params[f"eps_{l}"]) * h + agg
        # MLP: fc1 -> BN -> relu -> fc2
        h2 = h2 @ params[f"W1_{l}"] + params[f"b1_{l}"]
        h2 = _bn(h2, params[f"g1_{l}"], params[f"bb1_{l}"])
        h2 = jax.nn.relu(h2)
        h2 = h2 @ params[f"W2_{l}"] + params[f"b2_{l}"]
        # outer BatchNorm + relu
        h2 = _bn(h2, params[f"go_{l}"], params[f"bo_{l}"])
        h = jax.nn.relu(h2)
        hidden_rep.append(h)
    out = jnp.zeros((1, DOUT), dtype=jnp.float32)
    for l, hl in enumerate(hidden_rep):
        pooled = jnp.sum(hl, axis=0, keepdims=True)  # dgl.sum_nodes, single graph
        score = pooled @ params[f"Wp_{l}"] + params[f"bp_{l}"]
        # dropout is identity in eval mode
        out = out + score
    return out

if __name__ == "__main__":
    import jax
    _d = setup_inputs()
    print(jax.jit(kernel)(*tuple(_d.values())))

</pallas_src>

<mosaic_0001>
#map = affine_map<(d0, d1) -> (0, 0)>
#map1 = affine_map<(d0, d1) -> (0, 0, 0)>
module attributes {stable_mosaic.version = 14 : i64} {
  func.func @_agg_body(%arg0: i32, %arg1: i32, %arg2: memref<10000x128xf32, #tpu.memory_space<hbm>>, %arg3: memref<32x125x80xi32, #tpu.memory_space<hbm>>, %arg4: memref<32x125x80xi32, #tpu.memory_space<hbm>>, %arg5: memref<10240x128xf32, #tpu.memory_space<hbm>>, %arg6: memref<2x10240x128xf32, #tpu.memory_space<hbm>>, %arg7: memref<125x80xi32, #tpu.memory_space<vmem>>, %arg8: memref<125x80xi32, #tpu.memory_space<vmem>>, %arg9: memref<80x128xf32, #tpu.memory_space<vmem>>, %arg10: memref<!tpu.dma_semaphore, #tpu.memory_space<semaphore_mem>>, %arg11: memref<10240x128xf32, #tpu.memory_space<vmem_shared>>) attributes {dimension_semantics = [#tpu.dimension_semantics<core_parallel>, #tpu.dimension_semantics<subcore_parallel>], iteration_bounds = array<i64: 2, 16>, scalar_prefetch = 0 : i64, scratch_operands = 5 : i64, tpu.core_type = #tpu.core_type<sc_vector_subcore>, window_params = [{transform_indices = #map}, {transform_indices = #map1}, {transform_indices = #map1}, {transform_indices = #map}, {transform_indices = #map1}]} {
    %mul3A = arith.constant 2 : i32
    %mul3A_0 = arith.muli %arg1, %mul3A : i32
    %add3A = arith.addi %mul3A_0, %arg0 : i32
    %mul3A_1 = arith.constant 640 : i32
    %mul3A_2 = arith.muli %arg1, %mul3A_1 : i32
    "tpu.region"() ({
      %run_scoped3A = tpu.sem_alloc : memref<!tpu.dma_semaphore, #tpu.memory_space<semaphore_mem>>
      %dma_start3A = arith.constant 0 : i32
      %dma_start3A_9 = tpu.memref_slice %arg11[%mul3A_2, %dma_start3A] : memref<10240x128xf32, #tpu.memory_space<vmem_shared>> -> memref<640x128xf32, #tpu.memory_space<vmem_shared>>
      %dma_start3A_10 = arith.constant 0 : i32
      %dma_start3A_11 = tpu.memref_slice %arg5[%mul3A_2, %dma_start3A_10] : memref<10240x128xf32, #tpu.memory_space<hbm>> -> memref<640x128xf32, #tpu.memory_space<hbm>>
      tpu.enqueue_dma source(%dma_start3A_11 : memref<640x128xf32, #tpu.memory_space<hbm>>) target(%dma_start3A_9 : memref<640x128xf32, #tpu.memory_space<vmem_shared>>) target_semaphore(%run_scoped3A : memref<!tpu.dma_semaphore, #tpu.memory_space<semaphore_mem>>)
      %dma_wait3A = arith.constant 0 : i32
      %dma_wait3A_12 = tpu.memref_slice %arg11[%mul3A_2, %dma_wait3A] : memref<10240x128xf32, #tpu.memory_space<vmem_shared>> -> memref<640x128xf32, #tpu.memory_space<vmem_shared>>
      %dma_wait3A_13 = arith.constant 0 : i32
      %dma_wait3A_14 = tpu.memref_slice %arg5[%mul3A_2, %dma_wait3A_13] : memref<10240x128xf32, #tpu.memory_space<hbm>> -> memref<640x128xf32, #tpu.memory_space<hbm>>
      tpu.wait_dma2 semaphore(%run_scoped3A : memref<!tpu.dma_semaphore, #tpu.memory_space<semaphore_mem>>) src(%dma_wait3A_14 : memref<640x128xf32, #tpu.memory_space<hbm>>) dst(%dma_wait3A_12 : memref<640x128xf32, #tpu.memory_space<vmem_shared>>)
      tpu.yield
    }) : () -> ()
    "tpu.region"() ({
      %run_scoped3A = tpu.sem_alloc : memref<!tpu.dma_semaphore, #tpu.memory_space<semaphore_mem>>
      %dma_start3A = arith.constant 0 : i32
      %dma_start3A_9 = arith.constant 0 : i32
      %dma_start3A_10 = tpu.memref_slice %arg3[%add3A, %dma_start3A, %dma_start3A_9] : memref<32x125x80xi32, #tpu.memory_space<hbm>> -> memref<1x125x80xi32, #tpu.memory_space<hbm>>
      %dma_start3A_11 = tpu.memref_squeeze %dma_start3A_10 : memref<1x125x80xi32, #tpu.memory_space<hbm>> -> memref<125x80xi32, #tpu.memory_space<hbm>>
      %dma_start3A_12 = arith.constant 0 : i32
      %dma_start3A_13 = arith.constant 0 : i32
      %dma_start3A_14 = tpu.memref_slice %arg3[%add3A, %dma_start3A_12, %dma_start3A_13] : memref<32x125x80xi32, #tpu.memory_space<hbm>> -> memref<1x125x80xi32, #tpu.memory_space<hbm>>
      %dma_start3A_15 = tpu.memref_squeeze %dma_start3A_14 : memref<1x125x80xi32, #tpu.memory_space<hbm>> -> memref<125x80xi32, #tpu.memory_space<hbm>>
      tpu.enqueue_dma source(%dma_start3A_15 : memref<125x80xi32, #tpu.memory_space<hbm>>) target(%arg7 : memref<125x80xi32, #tpu.memory_space<vmem>>) target_semaphore(%run_scoped3A : memref<!tpu.dma_semaphore, #tpu.memory_space<semaphore_mem>>)
      %dma_wait3A = arith.constant 0 : i32
      %dma_wait3A_16 = arith.constant 0 : i32
      %dma_wait3A_17 = tpu.memref_slice %arg3[%add3A, %dma_wait3A, %dma_wait3A_16] : memref<32x125x80xi32, #tpu.memory_space<hbm>> -> memref<1x125x80xi32, #tpu.memory_space<hbm>>
      %dma_wait3A_18 = tpu.memref_squeeze %dma_wait3A_17 : memref<1x125x80xi32, #tpu.memory_space<hbm>> -> memref<125x80xi32, #tpu.memory_space<hbm>>
      %dma_wait3A_19 = arith.constant 0 : i32
      %dma_wait3A_20 = arith.constant 0 : i32
      %dma_wait3A_21 = tpu.memref_slice %arg3[%add3A, %dma_wait3A_19, %dma_wait3A_20] : memref<32x125x80xi32, #tpu.memory_space<hbm>> -> memref<1x125x80xi32, #tpu.memory_space<hbm>>
      %dma_wait3A_22 = tpu.memref_squeeze %dma_wait3A_21 : memref<1x125x80xi32, #tpu.memory_space<hbm>> -> memref<125x80xi32, #tpu.memory_space<hbm>>
      tpu.wait_dma2 semaphore(%run_scoped3A : memref<!tpu.dma_semaphore, #tpu.memory_space<semaphore_mem>>) src(%dma_wait3A_22 : memref<125x80xi32, #tpu.memory_space<hbm>>) dst(%arg7 : memref<125x80xi32, #tpu.memory_space<vmem>>)
      tpu.yield
    }) : () -> ()
    "tpu.region"() ({
      %run_scoped3A = tpu.sem_alloc : memref<!tpu.dma_semaphore, #tpu.memory_space<semaphore_mem>>
      %dma_start3A = arith.constant 0 : i32
      %dma_start3A_9 = arith.constant 0 : i32
      %dma_start3A_10 = tpu.memref_slice %arg4[%add3A, %dma_start3A, %dma_start3A_9] : memref<32x125x80xi32, #tpu.memory_space<hbm>> -> memref<1x125x80xi32, #tpu.memory_space<hbm>>
      %dma_start3A_11 = tpu.memref_squeeze %dma_start3A_10 : memref<1x125x80xi32, #tpu.memory_space<hbm>> -> memref<125x80xi32, #tpu.memory_space<hbm>>
      %dma_start3A_12 = arith.constant 0 : i32
      %dma_start3A_13 = arith.constant 0 : i32
      %dma_start3A_14 = tpu.memref_slice %arg4[%add3A, %dma_start3A_12, %dma_start3A_13] : memref<32x125x80xi32, #tpu.memory_space<hbm>> -> memref<1x125x80xi32, #tpu.memory_space<hbm>>
      %dma_start3A_15 = tpu.memref_squeeze %dma_start3A_14 : memref<1x125x80xi32, #tpu.memory_space<hbm>> -> memref<125x80xi32, #tpu.memory_space<hbm>>
      tpu.enqueue_dma source(%dma_start3A_15 : memref<125x80xi32, #tpu.memory_space<hbm>>) target(%arg8 : memref<125x80xi32, #tpu.memory_space<vmem>>) target_semaphore(%run_scoped3A : memref<!tpu.dma_semaphore, #tpu.memory_space<semaphore_mem>>)
      %dma_wait3A = arith.constant 0 : i32
      %dma_wait3A_16 = arith.constant 0 : i32
      %dma_wait3A_17 = tpu.memref_slice %arg4[%add3A, %dma_wait3A, %dma_wait3A_16] : memref<32x125x80xi32, #tpu.memory_space<hbm>> -> memref<1x125x80xi32, #tpu.memory_space<hbm>>
      %dma_wait3A_18 = tpu.memref_squeeze %dma_wait3A_17 : memref<1x125x80xi32, #tpu.memory_space<hbm>> -> memref<125x80xi32, #tpu.memory_space<hbm>>
      %dma_wait3A_19 = arith.constant 0 : i32
      %dma_wait3A_20 = arith.constant 0 : i32
      %dma_wait3A_21 = tpu.memref_slice %arg4[%add3A, %dma_wait3A_19, %dma_wait3A_20] : memref<32x125x80xi32, #tpu.memory_space<hbm>> -> memref<1x125x80xi32, #tpu.memory_space<hbm>>
      %dma_wait3A_22 = tpu.memref_squeeze %dma_wait3A_21 : memref<1x125x80xi32, #tpu.memory_space<hbm>> -> memref<125x80xi32, #tpu.memory_space<hbm>>
      tpu.wait_dma2 semaphore(%run_scoped3A : memref<!tpu.dma_semaphore, #tpu.memory_space<semaphore_mem>>) src(%dma_wait3A_22 : memref<125x80xi32, #tpu.memory_space<hbm>>) dst(%arg8 : memref<125x80xi32, #tpu.memory_space<vmem>>)
      tpu.yield
    }) : () -> ()
    %barrier3A = arith.constant 0 : index
    tpu.barrier barrier_id(%barrier3A)
    %scan3A = arith.constant 0 : i32
    %scan3A_3 = arith.constant 0 : i32
    %scan3A_4 = arith.constant 125 : i32
    %scan3A_5 = arith.addi %scan3A_3, %scan3A_4 : i32
    %scan3A_6 = arith.constant 1 : i32
    scf.for %scan3A_9 = %scan3A_3 to %scan3A_5 step %scan3A_6  : i32 {
      %dma_start3A = arith.constant 0 : i32
      %dma_start3A_10 = tpu.memref_slice %arg7[%scan3A_9, %dma_start3A] : memref<125x80xi32, #tpu.memory_space<vmem>> -> memref<1x80xi32, #tpu.memory_space<vmem>>
      %dma_start3A_11 = tpu.memref_squeeze %dma_start3A_10 : memref<1x80xi32, #tpu.memory_space<vmem>> -> memref<80xi32, #tpu.memory_space<vmem>>
      %dma_start3A_12 = arith.constant 0 : i32
      %dma_start3A_13 = arith.constant 0 : i32
      %dma_start3A_14 = tpu.memref_slice %arg2[%dma_start3A_12, %dma_start3A_13] : memref<10000x128xf32, #tpu.memory_space<hbm>> -> memref<10000x128xf32, #tpu.memory_space<hbm>>
      tpu.enqueue_indirect_dma source(%dma_start3A_14 : memref<10000x128xf32, #tpu.memory_space<hbm>>) target(%arg9 : memref<80x128xf32, #tpu.memory_space<vmem>>) offsets(%dma_start3A_11 : memref<80xi32, #tpu.memory_space<vmem>>) semaphore(%arg10 : memref<!tpu.dma_semaphore, #tpu.memory_space<semaphore_mem>>)
      %dma_wait3A = arith.constant 0 : i32
      %dma_wait3A_15 = tpu.memref_slice %arg7[%scan3A_9, %dma_wait3A] : memref<125x80xi32, #tpu.memory_space<vmem>> -> memref<1x80xi32, #tpu.memory_space<vmem>>
      %dma_wait3A_16 = tpu.memref_squeeze %dma_wait3A_15 : memref<1x80xi32, #tpu.memory_space<vmem>> -> memref<80xi32, #tpu.memory_space<vmem>>
      %dma_wait3A_17 = arith.constant 0 : i32
      %dma_wait3A_18 = arith.constant 0 : i32
      %dma_wait3A_19 = tpu.memref_slice %arg2[%dma_wait3A_17, %dma_wait3A_18] : memref<10000x128xf32, #tpu.memory_space<hbm>> -> memref<10000x128xf32, #tpu.memory_space<hbm>>
      tpu.wait_indirect_dma semaphore(%arg10 : memref<!tpu.dma_semaphore, #tpu.memory_space<semaphore_mem>>) src(%dma_wait3A_19 : memref<10000x128xf32, #tpu.memory_space<hbm>>) dst(%arg9 : memref<80x128xf32, #tpu.memory_space<vmem>>)
      "tpu.region"() ({
        %run_scoped3A = tpu.sem_alloc : memref<!tpu.dma_semaphore, #tpu.memory_space<semaphore_mem>>
        %dma_start3A_20 = arith.constant 0 : i32
        %dma_start3A_21 = tpu.memref_slice %arg8[%scan3A_9, %dma_start3A_20] : memref<125x80xi32, #tpu.memory_space<vmem>> -> memref<1x80xi32, #tpu.memory_space<vmem>>
        %dma_start3A_22 = tpu.memref_squeeze %dma_start3A_21 : memref<1x80xi32, #tpu.memory_space<vmem>> -> memref<80xi32, #tpu.memory_space<vmem>>
        %dma_start3A_23 = arith.constant 0 : i32
        %dma_start3A_24 = arith.constant 0 : i32
        %dma_start3A_25 = tpu.memref_slice %arg11[%dma_start3A_23, %dma_start3A_24] : memref<10240x128xf32, #tpu.memory_space<vmem_shared>> -> memref<10240x128xf32, #tpu.memory_space<vmem_shared>>
        tpu.enqueue_indirect_dma source(%arg9 : memref<80x128xf32, #tpu.memory_space<vmem>>) target(%dma_start3A_25 : memref<10240x128xf32, #tpu.memory_space<vmem_shared>>) offsets(%dma_start3A_22 : memref<80xi32, #tpu.memory_space<vmem>>) semaphore(%run_scoped3A : memref<!tpu.dma_semaphore, #tpu.memory_space<semaphore_mem>>) {add = true}
        %dma_wait3A_26 = arith.constant 0 : i32
        %dma_wait3A_27 = tpu.memref_slice %arg8[%scan3A_9, %dma_wait3A_26] : memref<125x80xi32, #tpu.memory_space<vmem>> -> memref<1x80xi32, #tpu.memory_space<vmem>>
        %dma_wait3A_28 = tpu.memref_squeeze %dma_wait3A_27 : memref<1x80xi32, #tpu.memory_space<vmem>> -> memref<80xi32, #tpu.memory_space<vmem>>
        %dma_wait3A_29 = arith.constant 0 : i32
        %dma_wait3A_30 = arith.constant 0 : i32
        %dma_wait3A_31 = tpu.memref_slice %arg11[%dma_wait3A_29, %dma_wait3A_30] : memref<10240x128xf32, #tpu.memory_space<vmem_shared>> -> memref<10240x128xf32, #tpu.memory_space<vmem_shared>>
        tpu.wait_indirect_dma semaphore(%run_scoped3A : memref<!tpu.dma_semaphore, #tpu.memory_space<semaphore_mem>>) src(%arg9 : memref<80x128xf32, #tpu.memory_space<vmem>>) dst(%dma_wait3A_31 : memref<10240x128xf32, #tpu.memory_space<vmem_shared>>)
        tpu.yield
      }) : () -> ()
    }
    %scan3A_7 = arith.constant 125 : i32
    %barrier3A_8 = arith.constant 0 : index
    tpu.barrier barrier_id(%barrier3A_8)
    "tpu.region"() ({
      %run_scoped3A = tpu.sem_alloc : memref<!tpu.dma_semaphore, #tpu.memory_space<semaphore_mem>>
      %dma_start3A = arith.constant 0 : i32
      %dma_start3A_9 = tpu.memref_slice %arg6[%arg0, %mul3A_2, %dma_start3A] : memref<2x10240x128xf32, #tpu.memory_space<hbm>> -> memref<1x640x128xf32, #tpu.memory_space<hbm>>
      %dma_start3A_10 = tpu.memref_squeeze %dma_start3A_9 : memref<1x640x128xf32, #tpu.memory_space<hbm>> -> memref<640x128xf32, #tpu.memory_space<hbm>>
      %dma_start3A_11 = arith.constant 0 : i32
      %dma_start3A_12 = tpu.memref_slice %arg11[%mul3A_2, %dma_start3A_11] : memref<10240x128xf32, #tpu.memory_space<vmem_shared>> -> memref<640x128xf32, #tpu.memory_space<vmem_shared>>
      tpu.enqueue_dma source(%dma_start3A_12 : memref<640x128xf32, #tpu.memory_space<vmem_shared>>) target(%dma_start3A_10 : memref<640x128xf32, #tpu.memory_space<hbm>>) target_semaphore(%run_scoped3A : memref<!tpu.dma_semaphore, #tpu.memory_space<semaphore_mem>>)
      %dma_wait3A = arith.constant 0 : i32
      %dma_wait3A_13 = tpu.memref_slice %arg6[%arg0, %mul3A_2, %dma_wait3A] : memref<2x10240x128xf32, #tpu.memory_space<hbm>> -> memref<1x640x128xf32, #tpu.memory_space<hbm>>
      %dma_wait3A_14 = tpu.memref_squeeze %dma_wait3A_13 : memref<1x640x128xf32, #tpu.memory_space<hbm>> -> memref<640x128xf32, #tpu.memory_space<hbm>>
      %dma_wait3A_15 = arith.constant 0 : i32
      %dma_wait3A_16 = tpu.memref_slice %arg11[%mul3A_2, %dma_wait3A_15] : memref<10240x128xf32, #tpu.memory_space<vmem_shared>> -> memref<640x128xf32, #tpu.memory_space<vmem_shared>>
      tpu.wait_dma2 semaphore(%run_scoped3A : memref<!tpu.dma_semaphore, #tpu.memory_space<semaphore_mem>>) src(%dma_wait3A_16 : memref<640x128xf32, #tpu.memory_space<vmem_shared>>) dst(%dma_wait3A_14 : memref<640x128xf32, #tpu.memory_space<hbm>>)
      tpu.yield
    }) : () -> ()
    return
  }
}

</mosaic_0001>

<sc_bundles>
// kernel: _agg.3.cloned.1.call-start
scs
__scs_entry_jumppad:
0x0: {  	(pc) =	sbr.rel $0x88, $3  }
0x1: {  	(tag) =	ssettag $0x0;
	lr =	simm.s32 $0x1  }
0x2: {  	[smem:$0x3F9E] =	sst lr;
	_ =	strace $0xD0000000  }
0x3: {  	_ = 	snop  }
0x4: {  	_ = 	snop  }
0x5: {  	_ = 	snop  }
0x6: {  	_ = 	snop  }
0x7: {  	_ = 	snop  }
__scs_overlays_trampoline_lowered:
0x8: {  	[smem:$0x3FAD] =	sst s0  }
0x9: {  	[smem:$0x3FAE] =	sst s1  }
0xa: {  	[smem:$0x3FAF] =	sst s2  }
0xb: {  	[smem:$0x3FB0] =	sst s3  }
0xc: {  	[smem:$0x3FB1] =	sst s4  }
0xd: {  	[smem:$0x3FB2] =	sst s5  }
0xe: {  	[smem:$0x3FB3] =	sst s6  }
0xf: {  	[smem:$0x3FB4] =	sst s7  }
0x10: {  	[smem:$0x3FB5] =	sst s8  }
0x11: {  	[smem:$0x3FB6] =	sst s9;
	s0 =	simm.s32 @!p0 $0x0  }
0x12: {  	s1 =	sld [smem:$0x3F9C];
	s0 =	simm.s32 @p0 $0x1  }
0x13: {  	[smem:$0x3FB7] =	sst s0;
	s0 =	simm.s32 @!p1 $0x0  }
0x14: {  	s2 =	sld [smem:$0x3F9B];
	s0 =	simm.s32 @p1 $0x1  }
0x15: {  	[smem:$0x3FB8] =	sst s0;
	s0 =	simm.s32 @!p2 $0x0  }
0x16: {  	s3 =	sld [smem:$0x3FDB];
	s0 =	simm.s32 @p2 $0x1  }
0x17: {  	s4 =	simm.s32 $0x1BF5;
	[smem:$0x3FBA] =	sst s0  }
0x18: {  	s0 =	sld [smem:$0x3F9D];
	_ =	swait.ge [sflag:s4], $0x0  }
0x19: {  	s7 =	sld [smem:$0x3F9E]  }
0x1a: {  	s8 =	sadd.s32 $0xFFFFE003, lr  }
0x1b: {  	s9 =	sadd.s32 $0xFFFFFEF7, lr;
	s5 =	simm.s32 $0xFFFFFFFF;
	p2 =	slt.u32 s8, $0xFFFFF086  }
0x1c: {  	p1 =	slt.u32 s9, $0xF7A;
	s5 =	simm.s32 @!p2 $0x0  }
0x1d: {  	s5 =	simm.s32 @p1 $0x1;
	p0 =	seq.s32 s7, s2  }
0x1e: {  	s7 =	smul.u32 @!p0 $0xF7A, s2;
	p2 =	seq.s32 @!p0 s5, $0x0  }
0x1f: {  	s9 =	smul.u32 $0xF7A, s1;
	s8 =	simm.s32 @!p0 $0x1BF5;
	p2 =	por !p2, p0  }
0x20: {  	[sflag:s8] =	ssyncset.s32 @!p0 $0xFFFFF086;
	s6 =	sadd.s32 @!p0 s3, s7;
	s7 =	simm.s32 @!p0 $0x108  }
0x21: {  	s3 =	sadd.s32 s3, s9;
	s6 =	sadd.s32 @!p0 $0x88, s6;
	s7 =	simm.s32 @p2 $0x1082  }
0x22: {  	[simem:s7], [sflag:s8] =	dma.local @!p0 [hbm:s6], $0xF7A  }
0x23: {  	s9 =	sor.u32 $0xD0000000, s2;
	s6 =	simm.s32 $0x108;
	_ =	swait.ge @!p0 [sflag:s8], $0x0  }
0x24: {  	s3 =	sadd.s32 $0x88, s3;
	s6 =	simm.s32 @!p1 $0x1082;
	[sflag:s4] =	ssyncset.s32 $0xFFFFF086  }
0x25: {  	[simem:s6], [sflag:s4] =	dma.local [hbm:s3], $0xF7A  }
0x26: {  	[smem:$0x3F9E] =	sst s1;
	(tag) =	ssettag s2;
	_ =	strace s9  }
0x27: {  	s1 =	sld [smem:$0x3FAE]  }
0x28: {  	s2 =	sld [smem:$0x3FAF]  }
0x29: {  	s4 =	sld [smem:$0x3FB1]  }
0x2a: {  	p0 =	seq.s32 s5, $0x0;
	s5 =	sld [smem:$0x3FB2]  }
0x2b: {  	s6 =	sld [smem:$0x3FB3]  }
0x2c: {  	s7 =	sld [smem:$0x3FB4]  }
0x2d: {  	s3 =	simm.s32 $0x108;
	s8 =	sld [smem:$0x3FB5]  }
0x2e: {  	s3 =	simm.s32 @!p0 $0x1082;
	s9 =	sld [smem:$0x3FB6]  }
0x2f: {  	lr =	sadd.s32 s0, s3;
	s0 =	sld [smem:$0x3FAD]  }
0x30: {  	s3 =	sld [smem:$0x3FB0]  }
0x31: {  	[smem:$0x3FB9] =	sst s10  }
0x32: {  	s10 =	sld [smem:$0x3FB7];
	_ =	sdelay $0x3  }
0x33: {  	p0 =	seq.s32 s10, $0x1;
	s10 =	sld [smem:$0x3FB9];
	_ =	sdelay $0x3  }
0x34: {  	[smem:$0x3FB9] =	sst s10  }
0x35: {  	s10 =	sld [smem:$0x3FB8];
	_ =	sdelay $0x3  }
0x36: {  	p1 =	seq.s32 s10, $0x1;
	s10 =	sld [smem:$0x3FB9];
	_ =	sdelay $0x3  }
0x37: {  	[smem:$0x3FB9] =	sst s10  }
0x38: {  	s10 =	sld [smem:$0x3FBA]  }
0x39: {  	_ = 	snop;
	(pc) =	sbr.ind lr, $3  }
0x3a: {  	_ = 	snop  }
0x3b: {  	_ = 	snop  }
0x3c: {  	p2 =	seq.s32 s10, $0x1;
	s10 =	sld [smem:$0x3FB9]  }
0x3d: {  	_ =	shalt  }
0x3e: {  	_ =	shalt  }
0x3f: {  	_ =	shalt  }
0x40: {  	_ =	shalt  }
0x41: {  	_ =	shalt  }
0x42: {  	_ =	shalt  }
0x43: {  	_ =	shalt  }
0x44: {  	_ =	shalt  }
0x45: {  	_ =	shalt  }
0x46: {  	_ =	shalt  }
0x47: {  	_ =	shalt  }
0x48: {  	_ =	shalt  }
0x49: {  	_ =	shalt  }
0x4a: {  	_ =	shalt  }
0x4b: {  	_ =	shalt  }
0x4c: {  	_ =	shalt  }
0x4d: {  	_ =	shalt  }
0x4e: {  	_ =	shalt  }
0x4f: {  	_ =	shalt  }
0x50: {  	_ =	shalt  }
0x51: {  	_ =	shalt  }
0x52: {  	_ =	shalt  }
0x53: {  	_ =	shalt  }
0x54: {  	_ =	shalt  }
0x55: {  	_ =	shalt  }
0x56: {  	_ =	shalt  }
0x57: {  	_ =	shalt  }
0x58: {  	_ =	shalt  }
0x59: {  	_ =	shalt  }
0x5a: {  	_ =	shalt  }
0x5b: {  	_ =	shalt  }
0x5c: {  	_ =	shalt  }
0x5d: {  	_ =	shalt  }
0x5e: {  	_ =	shalt  }
0x5f: {  	_ =	shalt  }
0x60: {  	_ =	shalt  }
0x61: {  	_ =	shalt  }
0x62: {  	_ =	shalt  }
0x63: {  	_ =	shalt  }
0x64: {  	_ =	shalt  }
0x65: {  	_ =	shalt  }
0x66: {  	_ =	shalt  }
0x67: {  	_ =	shalt  }
0x68: {  	_ =	shalt  }
0x69: {  	_ =	shalt  }
0x6a: {  	_ =	shalt  }
0x6b: {  	_ =	shalt  }
0x6c: {  	_ =	shalt  }
0x6d: {  	_ =	shalt  }
0x6e: {  	_ =	shalt  }
0x6f: {  	_ =	shalt  }
0x70: {  	_ =	shalt  }
0x71: {  	_ =	shalt  }
0x72: {  	_ =	shalt  }
0x73: {  	_ =	shalt  }
0x74: {  	_ =	shalt  }
0x75: {  	_ =	shalt  }
0x76: {  	_ =	shalt  }
0x77: {  	_ =	shalt  }
0x78: {  	_ =	shalt  }
0x79: {  	_ =	shalt  }
0x7a: {  	_ =	shalt  }
0x7b: {  	_ =	shalt  }
0x7c: {  	_ =	shalt  }
0x7d: {  	_ =	shalt  }
0x7e: {  	_ =	shalt  }
0x7f: {  	_ =	shalt  }
0x80: {  	_ =	shalt  }
0x81: {  	_ =	shalt  }
0x82: {  	_ =	shalt  }
0x83: {  	_ =	shalt  }
0x84: {  	_ =	shalt  }
0x85: {  	_ =	shalt  }
0x86: {  	_ =	shalt  }
0x87: {  	_ =	shalt  }
.Lfunc_end0:
.L_simem_size_0:
called_computation_lowered:
.L_overlay_start_0:
0x88: {  	s2 =	sld [smem:$0x3FD9]  }
0x89: {  	s3 =	sld [smem:$0x3FFE];
	_ =	sdelay $0x1  }
0x8a: {  	s1 =	srdreg.scid  }
0x8b: {  	s0 =	sand.u32 $0x1, s1  }
0x8c: {  	s17 =	sshll.u32 s0, $0xA;
	s2 =	sadd.s32 s3, s2  }
0x8d: {  	s2 =	sadd.s32 s2, s17  }
0x8e: {  	[smem:$0x3FC5] =	sst s2  }
0x8f: {  	_ = 	snop  }
0x90: {  	s2 =	sld [smem:$0x3FC9]  }
0x91: {  	s18 =	sld [smem:$0x3FD0];
	(tm) =	ssettm $0x1  }
0x92: {  	s4 =	sld [smem:$0x3FFB];
	_ =	sdelay $0x3  }
0x93: {  	_ =	strace s4  }
0x94: {  	s4 =	sld [smem:$0x3FFC];
	_ =	sdelay $0x3  }
0x95: {  	_ =	strace s4  }
0x96: {  	s4 =	sld [smem:$0x3FFD];
	_ =	sdelay $0x3  }
0x97: {  	_ =	strace s4  }
0x98: {  	_ =	strace $0x8FFFFFFF  }
0x99: {  	s19 =	sld [smem:$0x3FDB];
	_ =	sdelay $0x1  }
0x9a: {  	s5 =	simm.s32 $_scs_section_size  }
0x9b: {  	s6 =	simm.s32 $_size__tile_overlayer_lowered;
	s7 =	simm.s32 $_tile_overlayer_lowered  }
0x9c: {  	s22 =	simm.s32 $0x1BFF;
	s21 =	sshll.u32 s7, $0x1;
	s4 =	sadd.s32 s5, s19  }
0x9d: {  	s8 =	simm.s32 $0x0;
	s20 =	sshll.u32 s6, $0x1;
	s6 =	sadd.s32 s21, s4  }
0x9e: {  	[timem:s8], [sflag:s22] =	dma.local [hbm:s6], s20  }
0x9f: {  	_ =	swait.ge [sflag:s22], s20  }
0xa0: {  	s5 =	ssub.s32 $0x0, s20;
	[sflag:s22] =	ssyncset.done $0x0  }
0xa1: {  	[sflag:s22] =	ssyncadd.s32 s5;
	_ =	sdelay $0x1  }
0xa2: {  	s23 =	simm.s32 $0x1B8B  }
0xa3: {  	_ =	swait.ge [sflag:s23], $0x1  }
0xa4: {  	[sflag:s23] =	ssyncset.done $0x0  }
0xa5: {  	s25 =	simm.s32 $0x1B8E;
	s24 =	sld [smem:$0x3FFE];
	[sflag:s23] =	ssyncadd.s32 $0xFFFFFFFF  }
0xa6: {  	s26 =	simm.s32 $execute0_lowered;
	[smem:$0x3FD2] =	sst s25  }
0xa7: {  	s6 =	sshll.u32 s26, $0x1;
	_ =	strace $0x80000046;
	[dreg:$0x1] =	wrdreg $0xFFFFFFFF  }
0xa8: {  	s28 =	simm.s32 $_size_execute0_lowered;
	s4 =	sadd.s32 s4, s6;
	[dreg:$0x0] =	wrdreg $0x0  }
0xa9: {  	s6 =	sshll.u32 s28, $0x1;
	[dreg:$0x2] =	wrdreg s4  }
0xaa: {  	[dreg:$0x3] =	wrdreg s6  }
0xab: {  	[dreg:$0x4] =	wrdreg $0xC0  }
0xac: {  	_ =	task [dreg:s8], $0x5FFFF  }
0xad: {  	[dreg:$0x1] =	wrdreg $0xFFFFFFFF  }
0xae: {  	[dreg:$0x0] =	wrdreg $0x60  }
0xaf: {  	[dreg:$0x2] =	wrdreg s2  }
0xb0: {  	[dreg:$0x3] =	wrdreg s24  }
0xb1: {  	[dreg:$0x4] =	wrdreg s18  }
0xb2: {  	[dreg:$0x5] =	wrdreg $0x76200  }
0xb3: {  	[dreg:$0x6] =	wrdreg $0x9  }
0xb4: {  	_ =	task.clear_ibuf [dreg:s8], $0x7FFFF;
	_ =	strace $0x90000046  }
0xb5: {  	s29 =	simm.s32 $0x9;
	_ =	strace $0x80000048  }
0xb6: {  	_ =	swait.ge [sflag:s29], $0x1  }
0xb7: {  	[sflag:s29] =	ssyncadd.s32 $0xFFFFFFFF  }
0xb8: {  	_ =	strace $0x90000048  }
0xb9: {  	_ =	sfence  }
0xba: {  	s30 =	sld [smem:$0x0];
	_ =	sdelay $0x2  }
0xbb: {  	s31 =	sshll.u32 s1, $0xD;
	s1 =	sshrl.u32 s1, $0x2  }
0xbc: {  	s3 =	sand.u32 $0x4000, s31;
	s1 =	sadd.s32 s1, s30  }
0xbd: {  	s0 =	sor.u32 s3, s0;
	s1 =	sshll.u32 s1, $0x11  }
0xbe: {  	s0 =	sor.u32 s1, s0  }
0xbf: {  	s0 =	sadd.s32 $0x8F2B, s0  }
0xc0: {  	[sflag:s0] =	ssyncadd.remote.s32 $0x1  }
0xc1: {  	_ =	sfence.sel $0xFFFF  }
0xc2: {  	[dreg:$0x0] =	wrdreg $0xFFFFFFFF;
	(pc) =	sbr.abs _section_cstart, $3  }
0xc3: {  	[dreg:$0x1] =	wrdreg $0xFFFFFFFF  }
0xc4: {  	_ =	task.clear_ibuf [dreg:s8], $0x2FFFF;
	_ =	strace $0x9FFFFFFF  }
0xc5: {  	(tm) =	ssettm $0x7FFFFFFF  }
tec
execute0_lowered:
.L_overlay_start_1:
0x0: {  	(tag) =	ssettag $0x1  }
0x1: {  	s1 =	rddreg [dreg:$0x0]  }
0x2: {  	s5 =	rddreg [dreg:$0x1]  }
0x3: {  	s2 =	srdreg.scid;
	s9 =	rddreg [dreg:$0x2]  }
0x4: {  	s0 =	stileid.u32;
	s3 =	rddreg [dreg:$0x3]  }
0x5: {  	s4 =	simm.s32 $0x0;
	s14 =	simm.s32 $0x50;
	s15 =	simm.s32 $0x4E20  }
0x6: {  	s16 =	simm.s32 $0x1;
	s6 =	sand.u32 $0x1, s2;
	s2 =	rddreg [dreg:$0x4]  }
0x7: {  	s17 =	simm.s32 $0x0;
	s26 =	sshll.u32 s0, $0x1;
	[smem:$0x7FF] =	sst s4  }
0x8: {  	s8 =	smul.u32 $0x14000, s0;
	s30 =	sshll.u32 s0, $0x6;
	s7 =	sor.u32 s6, s26  }
0x9: {  	_ =	strace $0x80000047;
	s11 =	ssub.s32 $0x2, s6;
	s12 =	smul.u32 $0x140000, s6  }
0xa: {  	s6 =	sor.u32 $0x1C02, s30;
	s7 =	smul.u32 $0x4E2, s7;
	s29 =	sshrl.u32 s11, $0x1  }
0xb: {  	s28 =	sshrl.u32 s8, $0x3;
	s13 =	sadd.s32 s8, s3;
	s11 =	ssub.s32 s11, s29  }
0xc: {  	s12 =	sadd.s32 s8, s12;
	s10 =	sadd.s32 s7, s5;
	s5 =	sadd.s32 s28, s5  }
0xd: {  	s31 =	sshrl.u32 s12, $0x3;
	s12 =	simm.s32 $0x2;
	s5 =	sadd.s32 $0x14200, s5  }
0xe: {  	s7 =	sadd.s32 $0x600, s10;
	s8 =	sadd.s32 $0xA400, s10;
	s9 =	sadd.s32 s9, s31  }
0xf: {  	s10 =	smax.u32 s11, $0x1;
	s11 =	sshrl.u32 s13, $0x3;
	s13 =	simm.s32 $0x2710  }
.LBB2_1:
0x10: {  	[spmem:s11], [sflag:s6] =	dma.local [hbm:s5], $0x2800  }
0x11: {  	_ =	swait.ge [sflag:s12], $0x2800  }
0x12: {  	[sflag:s12] =	ssyncset.done $0x0  }
0x13: {  	[sflag:s12] =	ssyncadd.s32 $0xFFFFD800  }
0x14: {  	[tilespmem:s4], [sflag:$0x2] =	stream.linear.gather [hbm4b:s7+s4], $0x2710, $0x38;
	[tilespmem:$0x1B620] =	vst v63  }
0x15: {  	_ =	swait.ge [sflag:s12], $0x2710  }
0x16: {  	[sflag:s12] =	ssyncset.done $0x0  }
0x17: {  	[sflag:s12] =	ssyncadd.s32 $0xFFFFD8F0  }
0x18: {  	[tilespmem:s13], [sflag:$0x2] =	stream.linear.gather [hbm4b:s8+s4], $0x2710, $0x38;
	[tilespmem:$0x1B620] =	vst v63  }
0x19: {  	_ =	swait.ge [sflag:s12], $0x2710  }
0x1a: {  	[sflag:s12] =	ssyncset.done $0x0  }
0x1b: {  	[sflag:s12] =	ssyncadd.s32 $0xFFFFD8F0  }
0x1c: {  	s18 =	simm.s32 $0x0;
	[bflag:$0x0] =	sbarrier.arrive $0xFFFF  }
0x1d: {  	[tilespmem:s15], [sflag:$0x1] =	stream.indirect.gather [hbm4b:s1+s14], $0x80, s18, s14, $0xb8;
	[tilespmem:$0x1B620] =	vst v63  }
0x1e: {  	_ =	swait.ge [sflag:s16], $0x2800  }
0x1f: {  	[sflag:s16] =	ssyncset.done $0x0  }
0x20: {  	s31 =	simm.s32 $0x2710;
	[sflag:s16] =	ssyncadd.s32 $0xFFFFD800  }
0x21: {  	[spmem:s3] =	stream.indirect.scatter.add.f32 [tilespmem:s15], [sflag:$0x2], $0x80, s31, s14, $0xb8;
	[tilespmem:$0x1B620] =	vst v63  }
0x22: {  	_ =	swait.ge [sflag:s12], $0x2800  }
0x23: {  	s19 =	simm.s32 $0x280;
	s18 =	simm.s32 $0x140;
	[sflag:s12] =	ssyncset.done $0x0  }
.LBB2_2:
0x24: {  	s20 =	sshra.s32 s18, $0x2  }
0x25: {  	[sflag:s12] =	ssyncadd.s32 $0xFFFFD800;
	s18 =	smov.u32 s19;
	s21 =	sadd.s32 $0x140, s19  }
0x26: {  	[tilespmem:s15], [sflag:$0x1] =	stream.indirect.gather [hbm4b:s1+s14], $0x80, s20, s14, $0xb8;
	[tilespmem:$0x1B620] =	vst v63  }
0x27: {  	p0 =	sne.s32 s19, $0x9B00;
	_ =	swait.ge [sflag:s16], $0x2800  }
.Ltmp0:
0x28: {  	[sflag:s16] =	ssyncset.done $0x0;
	(pc) =	sbr.rel @p0 .LBB2_2-.Ltmp0, $4  }
0x29: {  	s19 =	sadd.s32 $0x2710, s20;
	[sflag:s16] =	ssyncadd.s32 $0xFFFFD800  }
0x2a: {  	[spmem:s3] =	stream.indirect.scatter.add.f32 [tilespmem:s15], [sflag:$0x2], $0x80, s19, s14, $0xb8;
	[tilespmem:$0x1B620] =	vst v63  }
0x2b: {  	_ =	swait.ge [sflag:s12], $0x2800  }
0x2c: {  	s19 =	smov.u32 s21;
	[sflag:s12] =	ssyncset.done $0x0  }
0x2d: {  	s18 =	sshra.s32 s18, $0x2;
	[sflag:s12] =	ssyncadd.s32 $0xFFFFD800  }
0x2e: {  	[tilespmem:s15], [sflag:$0x1] =	stream.indirect.gather [hbm4b:s1+s14], $0x80, s18, s14, $0xb8;
	[tilespmem:$0x1B620] =	vst v63  }
0x2f: {  	_ =	swait.ge [sflag:s16], $0x2800  }
0x30: {  	[sflag:s16] =	ssyncset.done $0x0  }
0x31: {  	s18 =	sadd.s32 $0x2710, s18;
	[sflag:s16] =	ssyncadd.s32 $0xFFFFD800  }
0x32: {  	[spmem:s3] =	stream.indirect.scatter.add.f32 [tilespmem:s15], [sflag:$0x2], $0x80, s18, s14, $0xb8;
	[tilespmem:$0x1B620] =	vst v63  }
0x33: {  	_ =	swait.ge [sflag:s12], $0x2800  }
0x34: {  	s17 =	sadd.s32 $0x1, s17;
	[sflag:s12] =	ssyncset.done $0x0  }
0x35: {  	p0 =	sne.s32 s17, s10;
	[sflag:s12] =	ssyncadd.s32 $0xFFFFD800  }
.Ltmp1:
0x36: {  	[bflag:$0x0] =	sbarrier.arrive $0xFFFF;
	(pc) =	sbr.rel @p0 .LBB2_1-.Ltmp1, $4  }
0x37: {  	[hbm:s9], [sflag:s6] =	dma.local [spmem:s11], $0x2800  }
0x38: {  	_ =	swait.ge [sflag:s12], $0x2800  }
0x39: {  	[sflag:s12] =	ssyncset.done $0x0  }
0x3a: {  	[sflag:s12] =	ssyncadd.s32 $0xFFFFD800  }
0x3b: {  	_ =	sfence.sel $0x180000  }
0x3c: {  	[bflag:$0x0] =	sbarrier.arrive $0xFFFF  }
0x3d: {  	p0 =	sne.s32 s0, $0x0;
	_ =	strace $0x90000047  }
0x3e: {  	s0 =	sadd.s32 @!p0 $0x100000, s2;
	[bflag:$0x2] =	sbarrier.arrive $0xFFFF  }
0x3f: {  	[sflag:s0] =	ssyncadd.tile.s32 @!p0 $0x1;
	_ =	shalt  }
.Lfunc_end2:
_tile_overlayer_lowered:
.L_overlay_start_2:
0x40: {  	(tag) =	ssettag $0x2  }
0x41: {  	s0 =	rddreg [dreg:$0x0];
	s2 =	stileid.u32  }
0x42: {  	s1 =	rddreg [dreg:$0x1];
	p0 =	sne.s32 s2, $0x0  }
0x43: {  	s3 =	rddreg [dreg:$0x2];
	[bflag:$0x3] =	sbarrier.arrive $0xFFFF;
	s2 =	simm.s32 @!p0 $0x1C02  }
0x44: {  	[timem:s3], [sflag:s2] =	dma.local @!p0 [hbm:s0], s1  }
0x45: {  	s0 =	simm.s32 @!p0 $0x2  }
0x46: {  	_ =	swait.ge @!p0 [sflag:s0], s1  }
0x47: {  	s1 =	ssub.s32 @!p0 $0x0, s1;
	[sflag:s0] =	ssyncset.done @!p0 $0x0  }
0x48: {  	[sflag:s0] =	ssyncadd.s32 @!p0 s1  }
0x49: {  	[bflag:$0x3] =	sbarrier.arrive $0xFFFF  }
0x4a: {  	_ =	shalt  }

</sc_bundles>
